<compile_context>
chip_gen: v7x
topology: tpu7x:2x2x1
jax: 0.10.2.dev20260603
libtpu: 0.0.44.dev20260713+nightly
codegen_flags: <defaults>
</compile_context>

<pallas_src>
import functools

import jax
import jax.numpy as jnp
from jax import lax
from jax.experimental import pallas as pl
from jax.experimental.pallas import tpu as pltpu
from jax.experimental.pallas import tpu_sc as plsc

B = 8
S = 384
H = 768
NTOK = B * S


@functools.cache
def _make_sc_gather():
    info = plsc.get_sparse_core_info()
    nc, ns = info.num_cores, info.num_subcores
    nw = nc * ns
    per_w = NTOK // nw

    mesh = plsc.VectorSubcoreMesh(core_axis_name="c", subcore_axis_name="s")

    @functools.partial(
        pl.kernel,
        mesh=mesh,
        out_type=jax.ShapeDtypeStruct((NTOK, H), jnp.float32),
        scratch_types=[
            pltpu.VMEM((per_w,), jnp.int32),
            pltpu.VMEM((per_w, H), jnp.float32),
            pltpu.SemaphoreType.DMA,
        ],
    )
    def sc_gather(ids_hbm, table_hbm, out_hbm, idx_v, rows_v, sem):
        wid = lax.axis_index("s") * nc + lax.axis_index("c")
        base = wid * per_w
        pltpu.sync_copy(ids_hbm.at[pl.ds(base, per_w)], idx_v)
        pltpu.async_copy(table_hbm.at[idx_v], rows_v, sem).wait()
        pltpu.sync_copy(rows_v, out_hbm.at[pl.ds(base, per_w)])

    return sc_gather


def _ln_body(g_ref, pos_ref, tok_ref, w_ref, b_ref, out_ref):
    x = g_ref[...] + pos_ref[...] + tok_ref[...]
    xt = x.T
    mean = jnp.mean(xt, axis=0, keepdims=True)
    zm = xt - mean
    var = jnp.mean(zm * zm, axis=0, keepdims=True)
    y = zm * lax.rsqrt(var + 1e-5)
    out_ref[0, :, 0, :] = y * w_ref[0, 0][:, None] + b_ref[0, 0][:, None]


def _ln_call(garr, pos_emb, tok_emb, w2, b2, interpret=False):
    return pl.pallas_call(
        _ln_body,
        grid=(B,),
        in_specs=[
            pl.BlockSpec((S, H), lambda i: (i, 0)),
            pl.BlockSpec((S, H), lambda i: (0, 0)),
            pl.BlockSpec((S, H), lambda i: (0, 0)),
            pl.BlockSpec((1, 1, H), lambda i: (i, 0, 0)),
            pl.BlockSpec((1, 1, H), lambda i: (i, 0, 0)),
        ],
        out_specs=pl.BlockSpec((1, H, 1, S), lambda i: (i, 0, 0, 0)),
        out_shape=jax.ShapeDtypeStruct((B, H, 1, S), jnp.float32),
        interpret=interpret,
    )(garr, pos_emb, tok_emb, w2, b2)


def kernel(input_ids, word_emb, pos_emb, tok_emb, ln_weight, ln_bias):
    ids = input_ids.reshape(-1).astype(jnp.int32)
    garr = _make_sc_gather()(ids, word_emb)
    return _ln_call(
        garr,
        pos_emb,
        tok_emb,
        ln_weight.reshape(B, 1, H),
        ln_bias.reshape(B, 1, H),
    )

# --- scband reference (transcript-rebuilt; emitter-appended) ---
"""Pipeline reference for scband-embedding-30468497997978 (READ-ONLY COPY).

The authoritative reference and input builder live on the scoring server;
editing this copy changes nothing except your own understanding.
"""

import jax, jax.numpy as jnp
import numpy as np

BATCH = 8
HIDDEN = 768
SEQ = 384
VOCAB = 50265


def setup_inputs(seed: int = 0) -> dict:
    key = jax.random.key(seed)
    k1, k2, k3, k4 = jax.random.split(key, 4)
    input_ids = jax.random.randint(k1, (BATCH, SEQ), 0, VOCAB, dtype=jnp.int64)
    word_emb = jax.random.normal(k2, (VOCAB, HIDDEN), dtype=jnp.float32) * 0.02
    pos_emb = jax.random.normal(k3, (SEQ, HIDDEN), dtype=jnp.float32) * 0.02
    tok_emb = jax.random.normal(k4, (SEQ, HIDDEN), dtype=jnp.float32) * 0.02
    ln_weight = jnp.ones((BATCH, HIDDEN, 1, 1), dtype=jnp.float32)
    ln_bias = jnp.zeros((BATCH, HIDDEN, 1, 1), dtype=jnp.float32)
    return {
        "input_ids": input_ids,
        "word_emb": word_emb,
        "pos_emb": pos_emb,
        "tok_emb": tok_emb,
        "ln_weight": ln_weight,
        "ln_bias": ln_bias,
    }


def reference(input_ids, word_emb, pos_emb, tok_emb, ln_weight, ln_bias):
    # embedding lookup (SparseCore gather)
    inputs_embeds = jnp.take(word_emb, input_ids, axis=0)  # [B, S, H]
    # note: original adds FULL position/token-type tables (broadcast over batch)
    embeddings = inputs_embeds + tok_emb[None, :, :] + pos_emb[None, :, :]
    # transpose(1,2).unsqueeze(2) -> [B, H, 1, S]
    x = jnp.transpose(embeddings, (0, 2, 1))[:, :, None, :]
    # custom LayerNorm over hidden dim (dim 1)
    mean = jnp.mean(x, axis=1, keepdims=True)
    zero_mean = x - mean
    denom = jax.lax.rsqrt(jnp.mean(zero_mean * zero_mean, axis=1, keepdims=True) + 1e-05)
    out = zero_mean * denom * ln_weight + ln_bias
    return out

if __name__ == "__main__":
    import jax
    _d = setup_inputs()
    print(jax.jit(kernel)(*tuple(_d.values())))

</pallas_src>

<mosaic_0001>
#map = affine_map<(d0, d1) -> (0)>
#map1 = affine_map<(d0, d1) -> (0, 0)>
module attributes {stable_mosaic.version = 14 : i64} {
  func.func @sc_gather(%arg0: i32, %arg1: i32, %arg2: memref<3072xi32, #tpu.memory_space<hbm>>, %arg3: memref<50265x768xf32, #tpu.memory_space<hbm>>, %arg4: memref<3072x768xf32, #tpu.memory_space<hbm>>, %arg5: memref<96xi32, #tpu.memory_space<vmem>>, %arg6: memref<96x768xf32, #tpu.memory_space<vmem>>, %arg7: memref<!tpu.dma_semaphore, #tpu.memory_space<semaphore_mem>>) attributes {dimension_semantics = [#tpu.dimension_semantics<core_parallel>, #tpu.dimension_semantics<subcore_parallel>], iteration_bounds = array<i64: 2, 16>, scalar_prefetch = 0 : i64, scratch_operands = 3 : i64, tpu.core_type = #tpu.core_type<sc_vector_subcore>, window_params = [{transform_indices = #map}, {transform_indices = #map1}, {transform_indices = #map1}]} {
    %mul3A = arith.constant 2 : i32
    %mul3A_0 = arith.muli %arg1, %mul3A : i32
    %add3A = arith.addi %mul3A_0, %arg0 : i32
    %mul3A_1 = arith.constant 96 : i32
    %mul3A_2 = arith.muli %add3A, %mul3A_1 : i32
    "tpu.region"() ({
      %run_scoped3A = tpu.sem_alloc : memref<!tpu.dma_semaphore, #tpu.memory_space<semaphore_mem>>
      %dma_start3A_7 = tpu.memref_slice %arg2[%mul3A_2] : memref<3072xi32, #tpu.memory_space<hbm>> -> memref<96xi32, #tpu.memory_space<hbm>>
      %dma_start3A_8 = tpu.memref_slice %arg2[%mul3A_2] : memref<3072xi32, #tpu.memory_space<hbm>> -> memref<96xi32, #tpu.memory_space<hbm>>
      tpu.enqueue_dma source(%dma_start3A_8 : memref<96xi32, #tpu.memory_space<hbm>>) target(%arg5 : memref<96xi32, #tpu.memory_space<vmem>>) target_semaphore(%run_scoped3A : memref<!tpu.dma_semaphore, #tpu.memory_space<semaphore_mem>>)
      %dma_wait3A_9 = tpu.memref_slice %arg2[%mul3A_2] : memref<3072xi32, #tpu.memory_space<hbm>> -> memref<96xi32, #tpu.memory_space<hbm>>
      %dma_wait3A_10 = tpu.memref_slice %arg2[%mul3A_2] : memref<3072xi32, #tpu.memory_space<hbm>> -> memref<96xi32, #tpu.memory_space<hbm>>
      tpu.wait_dma2 semaphore(%run_scoped3A : memref<!tpu.dma_semaphore, #tpu.memory_space<semaphore_mem>>) src(%dma_wait3A_10 : memref<96xi32, #tpu.memory_space<hbm>>) dst(%arg5 : memref<96xi32, #tpu.memory_space<vmem>>)
      tpu.yield
    }) : () -> ()
    %dma_start3A = arith.constant 0 : i32
    %dma_start3A_3 = arith.constant 0 : i32
    %dma_start3A_4 = tpu.memref_slice %arg3[%dma_start3A, %dma_start3A_3] : memref<50265x768xf32, #tpu.memory_space<hbm>> -> memref<50265x768xf32, #tpu.memory_space<hbm>>
    tpu.enqueue_indirect_dma source(%dma_start3A_4 : memref<50265x768xf32, #tpu.memory_space<hbm>>) target(%arg6 : memref<96x768xf32, #tpu.memory_space<vmem>>) offsets(%arg5 : memref<96xi32, #tpu.memory_space<vmem>>) semaphore(%arg7 : memref<!tpu.dma_semaphore, #tpu.memory_space<semaphore_mem>>)
    %dma_wait3A = arith.constant 0 : i32
    %dma_wait3A_5 = arith.constant 0 : i32
    %dma_wait3A_6 = tpu.memref_slice %arg3[%dma_wait3A, %dma_wait3A_5] : memref<50265x768xf32, #tpu.memory_space<hbm>> -> memref<50265x768xf32, #tpu.memory_space<hbm>>
    tpu.wait_indirect_dma semaphore(%arg7 : memref<!tpu.dma_semaphore, #tpu.memory_space<semaphore_mem>>) src(%dma_wait3A_6 : memref<50265x768xf32, #tpu.memory_space<hbm>>) dst(%arg6 : memref<96x768xf32, #tpu.memory_space<vmem>>)
    "tpu.region"() ({
      %run_scoped3A = tpu.sem_alloc : memref<!tpu.dma_semaphore, #tpu.memory_space<semaphore_mem>>
      %dma_start3A_7 = arith.constant 0 : i32
      %dma_start3A_8 = tpu.memref_slice %arg4[%mul3A_2, %dma_start3A_7] : memref<3072x768xf32, #tpu.memory_space<hbm>> -> memref<96x768xf32, #tpu.memory_space<hbm>>
      %dma_start3A_9 = arith.constant 0 : i32
      %dma_start3A_10 = tpu.memref_slice %arg4[%mul3A_2, %dma_start3A_9] : memref<3072x768xf32, #tpu.memory_space<hbm>> -> memref<96x768xf32, #tpu.memory_space<hbm>>
      tpu.enqueue_dma source(%arg6 : memref<96x768xf32, #tpu.memory_space<vmem>>) target(%dma_start3A_10 : memref<96x768xf32, #tpu.memory_space<hbm>>) target_semaphore(%run_scoped3A : memref<!tpu.dma_semaphore, #tpu.memory_space<semaphore_mem>>)
      %dma_wait3A_11 = arith.constant 0 : i32
      %dma_wait3A_12 = tpu.memref_slice %arg4[%mul3A_2, %dma_wait3A_11] : memref<3072x768xf32, #tpu.memory_space<hbm>> -> memref<96x768xf32, #tpu.memory_space<hbm>>
      %dma_wait3A_13 = arith.constant 0 : i32
      %dma_wait3A_14 = tpu.memref_slice %arg4[%mul3A_2, %dma_wait3A_13] : memref<3072x768xf32, #tpu.memory_space<hbm>> -> memref<96x768xf32, #tpu.memory_space<hbm>>
      tpu.wait_dma2 semaphore(%run_scoped3A : memref<!tpu.dma_semaphore, #tpu.memory_space<semaphore_mem>>) src(%arg6 : memref<96x768xf32, #tpu.memory_space<vmem>>) dst(%dma_wait3A_14 : memref<96x768xf32, #tpu.memory_space<hbm>>)
      tpu.yield
    }) : () -> ()
    return
  }
}

module attributes {stable_mosaic.version = 14 : i64} {
  func.func @_ln_body(%arg0: i32, %arg1: memref<384x768xf32, #tpu.memory_space<vmem>>, %arg2: memref<384x768xf32, #tpu.memory_space<vmem>>, %arg3: memref<384x768xf32, #tpu.memory_space<vmem>>, %arg4: memref<1x1x768xf32, #tpu.memory_space<vmem>>, %arg5: memref<1x1x768xf32, #tpu.memory_space<vmem>>, %arg6: memref<1x768x1x384xf32, #tpu.memory_space<vmem>>) attributes {dimension_semantics = [#tpu.dimension_semantics<arbitrary>], iteration_bounds = array<i64: 8>, scalar_prefetch = 0 : i64, scratch_operands = 0 : i64, tpu.core_type = #tpu.core_type<tc>, window_params = [{transform_indices = @transform_0, window_bounds = array<i64: 384, 768>}, {pipeline_mode = #tpu.pipeline_mode<synchronous>, transform_indices = @transform_1, window_bounds = array<i64: 384, 768>}, {pipeline_mode = #tpu.pipeline_mode<synchronous>, transform_indices = @transform_2, window_bounds = array<i64: 384, 768>}, {transform_indices = @transform_3, window_bounds = array<i64: 1, 1, 768>}, {transform_indices = @transform_4, window_bounds = array<i64: 1, 1, 768>}, {transform_indices = @transform_5, window_bounds = array<i64: 1, 768, 1, 384>}]} {
    %get3A = arith.constant 0 : index
    %get3A_0 = arith.constant 0 : index
    %get3A_1 = vector.load %arg1[%get3A, %get3A_0] : memref<384x768xf32, #tpu.memory_space<vmem>>, vector<384x768xf32>
    %get3A_2 = arith.constant 0 : index
    %get3A_3 = arith.constant 0 : index
    %get3A_4 = vector.load %arg2[%get3A_2, %get3A_3] : memref<384x768xf32, #tpu.memory_space<vmem>>, vector<384x768xf32>
    %add3A = arith.addf %get3A_1, %get3A_4 : vector<384x768xf32>
    %get3A_5 = arith.constant 0 : index
    %get3A_6 = arith.constant 0 : index
    %get3A_7 = vector.load %arg3[%get3A_5, %get3A_6] : memref<384x768xf32, #tpu.memory_space<vmem>>, vector<384x768xf32>
    %add3A_8 = arith.addf %add3A, %get3A_7 : vector<384x768xf32>
    %transpose3A = tpu.transpose %add3A_8, [1, 0] : vector<384x768xf32> -> vector<768x384xf32>
    %reduce_sum3A = arith.constant dense<0.000000e+00> : vector<384xf32>
    %reduce_sum3A_9 = vector.multi_reduction <add>, %transpose3A, %reduce_sum3A [0] : vector<768x384xf32> to vector<384xf32>
    %broadcast_in_dim3A = vector.shape_cast %reduce_sum3A_9 : vector<384xf32> to vector<1x384xf32>
    %div3A = arith.constant 7.680000e+02 : f32
    %div3A_10 = vector.broadcast %div3A : f32 to vector<1x384xf32>
    %div3A_11 = arith.divf %broadcast_in_dim3A, %div3A_10 : vector<1x384xf32>
    %sub3A = vector.broadcast %div3A_11 : vector<1x384xf32> to vector<768x384xf32>
    %sub3A_12 = arith.subf %transpose3A, %sub3A : vector<768x384xf32>
    %mul3A = arith.mulf %sub3A_12, %sub3A_12 : vector<768x384xf32>
    %reduce_sum3A_13 = arith.constant dense<0.000000e+00> : vector<384xf32>
    %reduce_sum3A_14 = vector.multi_reduction <add>, %mul3A, %reduce_sum3A_13 [0] : vector<768x384xf32> to vector<384xf32>
    %broadcast_in_dim3A_15 = vector.shape_cast %reduce_sum3A_14 : vector<384xf32> to vector<1x384xf32>
    %div3A_16 = arith.constant 7.680000e+02 : f32
    %div3A_17 = vector.broadcast %div3A_16 : f32 to vector<1x384xf32>
    %div3A_18 = arith.divf %broadcast_in_dim3A_15, %div3A_17 : vector<1x384xf32>
    %add3A_19 = arith.constant 9.99999974E-6 : f32
    %add3A_20 = vector.broadcast %add3A_19 : f32 to vector<1x384xf32>
    %add3A_21 = arith.addf %div3A_18, %add3A_20 : vector<1x384xf32>
    %rsqrt3A = math.rsqrt %add3A_21 : vector<1x384xf32>
    %mul3A_22 = vector.broadcast %rsqrt3A : vector<1x384xf32> to vector<768x384xf32>
    %mul3A_23 = arith.mulf %sub3A_12, %mul3A_22 : vector<768x384xf32>
    %get3A_24 = arith.constant 0 : index
    %get3A_25 = arith.constant 0 : index
    %get3A_26 = arith.constant 0 : index
    %get3A_27 = vector.load %arg4[%get3A_24, %get3A_25, %get3A_26] : memref<1x1x768xf32, #tpu.memory_space<vmem>>, vector<1x1x768xf32>
    %get3A_28 = vector.shape_cast %get3A_27 : vector<1x1x768xf32> to vector<768xf32>
    %broadcast_in_dim3A_29 = vector.shape_cast %get3A_28 : vector<768xf32> to vector<768x1xf32>
    %mul3A_30 = vector.broadcast %broadcast_in_dim3A_29 : vector<768x1xf32> to vector<768x384xf32>
    %mul3A_31 = arith.mulf %mul3A_23, %mul3A_30 : vector<768x384xf32>
    %get3A_32 = arith.constant 0 : index
    %get3A_33 = arith.constant 0 : index
    %get3A_34 = arith.constant 0 : index
    %get3A_35 = vector.load %arg5[%get3A_32, %get3A_33, %get3A_34] : memref<1x1x768xf32, #tpu.memory_space<vmem>>, vector<1x1x768xf32>
    %get3A_36 = vector.shape_cast %get3A_35 : vector<1x1x768xf32> to vector<768xf32>
    %broadcast_in_dim3A_37 = vector.shape_cast %get3A_36 : vector<768xf32> to vector<768x1xf32>
    %add3A_38 = vector.broadcast %broadcast_in_dim3A_37 : vector<768x1xf32> to vector<768x384xf32>
    %add3A_39 = arith.addf %mul3A_31, %add3A_38 : vector<768x384xf32>
    %swap3A = arith.constant 0 : index
    %swap3A_40 = arith.constant 0 : index
    %swap3A_41 = arith.constant 0 : index
    %swap3A_42 = arith.constant 0 : index
    %swap3A_43 = vector.load %arg6[%swap3A, %swap3A_40, %swap3A_41, %swap3A_42] : memref<1x768x1x384xf32, #tpu.memory_space<vmem>>, vector<1x768x1x384xf32>
    %swap3A_44 = vector.shape_cast %swap3A_43 : vector<1x768x1x384xf32> to vector<768x384xf32>
    %swap3A_45 = vector.shape_cast %add3A_39 : vector<768x384xf32> to vector<1x768x1x384xf32>
    tpu.vector_store %arg6[%swap3A, %swap3A_40, %swap3A_41, %swap3A_42], %swap3A_45 {strides = array<i32>} : memref<1x768x1x384xf32, #tpu.memory_space<vmem>>, vector<1x768x1x384xf32>,
    return
  }
  func.func @transform_0(%arg0: i32) -> (i32, i32) {
    %c0_i32 = arith.constant 0 : i32
    %c0_i32_0 = arith.constant 0 : i32
    return %arg0, %c0_i32 : i32, i32
  }
  func.func @transform_1(%arg0: i32) -> (i32, i32) {
    %c0_i32 = arith.constant 0 : i32
    %c0_i32_0 = arith.constant 0 : i32
    %c0_i32_1 = arith.constant 0 : i32
    return %c0_i32, %c0_i32_0 : i32, i32
  }
  func.func @transform_2(%arg0: i32) -> (i32, i32) {
    %c0_i32 = arith.constant 0 : i32
    %c0_i32_0 = arith.constant 0 : i32
    %c0_i32_1 = arith.constant 0 : i32
    return %c0_i32, %c0_i32_0 : i32, i32
  }
  func.func @transform_3(%arg0: i32) -> (i32, i32, i32) {
    %c0_i32 = arith.constant 0 : i32
    %c0_i32_0 = arith.constant 0 : i32
    %c0_i32_1 = arith.constant 0 : i32
    return %arg0, %c0_i32, %c0_i32_0 : i32, i32, i32
  }
  func.func @transform_4(%arg0: i32) -> (i32, i32, i32) {
    %c0_i32 = arith.constant 0 : i32
    %c0_i32_0 = arith.constant 0 : i32
    %c0_i32_1 = arith.constant 0 : i32
    return %arg0, %c0_i32, %c0_i32_0 : i32, i32, i32
  }
  func.func @transform_5(%arg0: i32) -> (i32, i32, i32, i32) {
    %c0_i32 = arith.constant 0 : i32
    %c0_i32_0 = arith.constant 0 : i32
    %c0_i32_1 = arith.constant 0 : i32
    %c0_i32_2 = arith.constant 0 : i32
    return %arg0, %c0_i32, %c0_i32_0, %c0_i32_1 : i32, i32, i32, i32
  }
}

</mosaic_0001>

<sc_bundles>
// kernel: kernel.4.cloned.1.call-start
scs
__scs_entry_jumppad:
0x0: {  	(pc) =	sbr.rel $0x88, $3  }
0x1: {  	(tag) =	ssettag $0x0;
	lr =	simm.s32 $0x1  }
0x2: {  	[smem:$0x3F9B] =	sst lr;
	_ =	strace $0xD0000000  }
0x3: {  	_ = 	snop  }
0x4: {  	_ = 	snop  }
0x5: {  	_ = 	snop  }
0x6: {  	_ = 	snop  }
0x7: {  	_ = 	snop  }
__scs_overlays_trampoline_lowered:
0x8: {  	[smem:$0x3FAA] =	sst s0  }
0x9: {  	[smem:$0x3FAB] =	sst s1  }
0xa: {  	[smem:$0x3FAC] =	sst s2  }
0xb: {  	[smem:$0x3FAD] =	sst s3  }
0xc: {  	[smem:$0x3FAE] =	sst s4  }
0xd: {  	[smem:$0x3FAF] =	sst s5  }
0xe: {  	[smem:$0x3FB0] =	sst s6  }
0xf: {  	[smem:$0x3FB1] =	sst s7  }
0x10: {  	[smem:$0x3FB2] =	sst s8  }
0x11: {  	[smem:$0x3FB3] =	sst s9;
	s0 =	simm.s32 @!p0 $0x0  }
0x12: {  	s1 =	sld [smem:$0x3F99];
	s0 =	simm.s32 @p0 $0x1  }
0x13: {  	[smem:$0x3FB4] =	sst s0;
	s0 =	simm.s32 @!p1 $0x0  }
0x14: {  	s2 =	sld [smem:$0x3F98];
	s0 =	simm.s32 @p1 $0x1  }
0x15: {  	[smem:$0x3FB5] =	sst s0;
	s0 =	simm.s32 @!p2 $0x0  }
0x16: {  	s3 =	sld [smem:$0x3FDB];
	s0 =	simm.s32 @p2 $0x1  }
0x17: {  	s4 =	simm.s32 $0x1BF5;
	[smem:$0x3FB7] =	sst s0  }
0x18: {  	s0 =	sld [smem:$0x3F9A];
	_ =	swait.ge [sflag:s4], $0x0  }
0x19: {  	s7 =	sld [smem:$0x3F9B]  }
0x1a: {  	s8 =	sadd.s32 $0xFFFFE003, lr  }
0x1b: {  	s9 =	sadd.s32 $0xFFFFFEF7, lr;
	s5 =	simm.s32 $0xFFFFFFFF;
	p2 =	slt.u32 s8, $0xFFFFF086  }
0x1c: {  	p1 =	slt.u32 s9, $0xF7A;
	s5 =	simm.s32 @!p2 $0x0  }
0x1d: {  	s5 =	simm.s32 @p1 $0x1;
	p0 =	seq.s32 s7, s2  }
0x1e: {  	s7 =	smul.u32 @!p0 $0xF7A, s2;
	p2 =	seq.s32 @!p0 s5, $0x0  }
0x1f: {  	s9 =	smul.u32 $0xF7A, s1;
	s8 =	simm.s32 @!p0 $0x1BF5;
	p2 =	por !p2, p0  }
0x20: {  	[sflag:s8] =	ssyncset.s32 @!p0 $0xFFFFF086;
	s6 =	sadd.s32 @!p0 s3, s7;
	s7 =	simm.s32 @!p0 $0x108  }
0x21: {  	s3 =	sadd.s32 s3, s9;
	s6 =	sadd.s32 @!p0 $0x88, s6;
	s7 =	simm.s32 @p2 $0x1082  }
0x22: {  	[simem:s7], [sflag:s8] =	dma.local @!p0 [hbm:s6], $0xF7A  }
0x23: {  	s9 =	sor.u32 $0xD0000000, s2;
	s6 =	simm.s32 $0x108;
	_ =	swait.ge @!p0 [sflag:s8], $0x0  }
0x24: {  	s3 =	sadd.s32 $0x88, s3;
	s6 =	simm.s32 @!p1 $0x1082;
	[sflag:s4] =	ssyncset.s32 $0xFFFFF086  }
0x25: {  	[simem:s6], [sflag:s4] =	dma.local [hbm:s3], $0xF7A  }
0x26: {  	[smem:$0x3F9B] =	sst s1;
	(tag) =	ssettag s2;
	_ =	strace s9  }
0x27: {  	s1 =	sld [smem:$0x3FAB]  }
0x28: {  	s2 =	sld [smem:$0x3FAC]  }
0x29: {  	s4 =	sld [smem:$0x3FAE]  }
0x2a: {  	p0 =	seq.s32 s5, $0x0;
	s5 =	sld [smem:$0x3FAF]  }
0x2b: {  	s6 =	sld [smem:$0x3FB0]  }
0x2c: {  	s7 =	sld [smem:$0x3FB1]  }
0x2d: {  	s3 =	simm.s32 $0x108;
	s8 =	sld [smem:$0x3FB2]  }
0x2e: {  	s3 =	simm.s32 @!p0 $0x1082;
	s9 =	sld [smem:$0x3FB3]  }
0x2f: {  	lr =	sadd.s32 s0, s3;
	s0 =	sld [smem:$0x3FAA]  }
0x30: {  	s3 =	sld [smem:$0x3FAD]  }
0x31: {  	[smem:$0x3FB6] =	sst s10  }
0x32: {  	s10 =	sld [smem:$0x3FB4];
	_ =	sdelay $0x3  }
0x33: {  	p0 =	seq.s32 s10, $0x1;
	s10 =	sld [smem:$0x3FB6];
	_ =	sdelay $0x3  }
0x34: {  	[smem:$0x3FB6] =	sst s10  }
0x35: {  	s10 =	sld [smem:$0x3FB5];
	_ =	sdelay $0x3  }
0x36: {  	p1 =	seq.s32 s10, $0x1;
	s10 =	sld [smem:$0x3FB6];
	_ =	sdelay $0x3  }
0x37: {  	[smem:$0x3FB6] =	sst s10  }
0x38: {  	s10 =	sld [smem:$0x3FB7]  }
0x39: {  	_ = 	snop;
	(pc) =	sbr.ind lr, $3  }
0x3a: {  	_ = 	snop  }
0x3b: {  	_ = 	snop  }
0x3c: {  	p2 =	seq.s32 s10, $0x1;
	s10 =	sld [smem:$0x3FB6]  }
0x3d: {  	_ =	shalt  }
0x3e: {  	_ =	shalt  }
0x3f: {  	_ =	shalt  }
0x40: {  	_ =	shalt  }
0x41: {  	_ =	shalt  }
0x42: {  	_ =	shalt  }
0x43: {  	_ =	shalt  }
0x44: {  	_ =	shalt  }
0x45: {  	_ =	shalt  }
0x46: {  	_ =	shalt  }
0x47: {  	_ =	shalt  }
0x48: {  	_ =	shalt  }
0x49: {  	_ =	shalt  }
0x4a: {  	_ =	shalt  }
0x4b: {  	_ =	shalt  }
0x4c: {  	_ =	shalt  }
0x4d: {  	_ =	shalt  }
0x4e: {  	_ =	shalt  }
0x4f: {  	_ =	shalt  }
0x50: {  	_ =	shalt  }
0x51: {  	_ =	shalt  }
0x52: {  	_ =	shalt  }
0x53: {  	_ =	shalt  }
0x54: {  	_ =	shalt  }
0x55: {  	_ =	shalt  }
0x56: {  	_ =	shalt  }
0x57: {  	_ =	shalt  }
0x58: {  	_ =	shalt  }
0x59: {  	_ =	shalt  }
0x5a: {  	_ =	shalt  }
0x5b: {  	_ =	shalt  }
0x5c: {  	_ =	shalt  }
0x5d: {  	_ =	shalt  }
0x5e: {  	_ =	shalt  }
0x5f: {  	_ =	shalt  }
0x60: {  	_ =	shalt  }
0x61: {  	_ =	shalt  }
0x62: {  	_ =	shalt  }
0x63: {  	_ =	shalt  }
0x64: {  	_ =	shalt  }
0x65: {  	_ =	shalt  }
0x66: {  	_ =	shalt  }
0x67: {  	_ =	shalt  }
0x68: {  	_ =	shalt  }
0x69: {  	_ =	shalt  }
0x6a: {  	_ =	shalt  }
0x6b: {  	_ =	shalt  }
0x6c: {  	_ =	shalt  }
0x6d: {  	_ =	shalt  }
0x6e: {  	_ =	shalt  }
0x6f: {  	_ =	shalt  }
0x70: {  	_ =	shalt  }
0x71: {  	_ =	shalt  }
0x72: {  	_ =	shalt  }
0x73: {  	_ =	shalt  }
0x74: {  	_ =	shalt  }
0x75: {  	_ =	shalt  }
0x76: {  	_ =	shalt  }
0x77: {  	_ =	shalt  }
0x78: {  	_ =	shalt  }
0x79: {  	_ =	shalt  }
0x7a: {  	_ =	shalt  }
0x7b: {  	_ =	shalt  }
0x7c: {  	_ =	shalt  }
0x7d: {  	_ =	shalt  }
0x7e: {  	_ =	shalt  }
0x7f: {  	_ =	shalt  }
0x80: {  	_ =	shalt  }
0x81: {  	_ =	shalt  }
0x82: {  	_ =	shalt  }
0x83: {  	_ =	shalt  }
0x84: {  	_ =	shalt  }
0x85: {  	_ =	shalt  }
0x86: {  	_ =	shalt  }
0x87: {  	_ =	shalt  }
.Lfunc_end0:
.L_simem_size_0:
called_computation_lowered:
.L_overlay_start_0:
0x88: {  	s2 =	sld [smem:$0x3FD9]  }
0x89: {  	s3 =	sld [smem:$0x3FFE];
	_ =	sdelay $0x1  }
0x8a: {  	s1 =	srdreg.scid  }
0x8b: {  	s0 =	sand.u32 $0x1, s1  }
0x8c: {  	s17 =	sshll.u32 s0, $0xA;
	s2 =	sadd.s32 s3, s2  }
0x8d: {  	s2 =	sadd.s32 s2, s17  }
0x8e: {  	[smem:$0x3FC2] =	sst s2  }
0x8f: {  	_ = 	snop  }
0x90: {  	s2 =	sld [smem:$0x3FC8]  }
0x91: {  	s18 =	sld [smem:$0x3FD0];
	(tm) =	ssettm $0x1  }
0x92: {  	s4 =	sld [smem:$0x3FFB];
	_ =	sdelay $0x3  }
0x93: {  	_ =	strace s4  }
0x94: {  	s4 =	sld [smem:$0x3FFC];
	_ =	sdelay $0x3  }
0x95: {  	_ =	strace s4  }
0x96: {  	s4 =	sld [smem:$0x3FFD];
	_ =	sdelay $0x3  }
0x97: {  	_ =	strace s4  }
0x98: {  	_ =	strace $0x8FFFFFFF  }
0x99: {  	s19 =	sld [smem:$0x3FDB];
	_ =	sdelay $0x1  }
0x9a: {  	s5 =	simm.s32 $_scs_section_size  }
0x9b: {  	s6 =	simm.s32 $_size__tile_overlayer_lowered;
	s7 =	simm.s32 $_tile_overlayer_lowered  }
0x9c: {  	s22 =	simm.s32 $0x1BFF;
	s21 =	sshll.u32 s7, $0x1;
	s4 =	sadd.s32 s5, s19  }
0x9d: {  	s8 =	simm.s32 $0x0;
	s20 =	sshll.u32 s6, $0x1;
	s6 =	sadd.s32 s21, s4  }
0x9e: {  	[timem:s8], [sflag:s22] =	dma.local [hbm:s6], s20  }
0x9f: {  	_ =	swait.ge [sflag:s22], s20  }
0xa0: {  	s5 =	ssub.s32 $0x0, s20;
	[sflag:s22] =	ssyncset.done $0x0  }
0xa1: {  	[sflag:s22] =	ssyncadd.s32 s5;
	_ =	sdelay $0x1  }
0xa2: {  	s23 =	simm.s32 $0x1B8B  }
0xa3: {  	_ =	swait.ge [sflag:s23], $0x1  }
0xa4: {  	[sflag:s23] =	ssyncset.done $0x0  }
0xa5: {  	s25 =	simm.s32 $0x1B8E;
	s24 =	sld [smem:$0x3FFE];
	[sflag:s23] =	ssyncadd.s32 $0xFFFFFFFF  }
0xa6: {  	s26 =	simm.s32 $execute0_lowered;
	[smem:$0x3FD2] =	sst s25  }
0xa7: {  	s6 =	sshll.u32 s26, $0x1;
	_ =	strace $0x80000046;
	[dreg:$0x1] =	wrdreg $0xFFFFFFFF  }
0xa8: {  	s28 =	simm.s32 $_size_execute0_lowered;
	s4 =	sadd.s32 s4, s6;
	[dreg:$0x0] =	wrdreg $0x0  }
0xa9: {  	s6 =	sshll.u32 s28, $0x1;
	[dreg:$0x2] =	wrdreg s4  }
0xaa: {  	[dreg:$0x3] =	wrdreg s6  }
0xab: {  	[dreg:$0x4] =	wrdreg $0xC0  }
0xac: {  	_ =	task [dreg:s8], $0x5FFFF  }
0xad: {  	[dreg:$0x1] =	wrdreg $0xFFFFFFFF  }
0xae: {  	[dreg:$0x0] =	wrdreg $0x60  }
0xaf: {  	[dreg:$0x2] =	wrdreg s24  }
0xb0: {  	[dreg:$0x3] =	wrdreg s2  }
0xb1: {  	[dreg:$0x4] =	wrdreg s18  }
0xb2: {  	[dreg:$0x5] =	wrdreg $0x9  }
0xb3: {  	_ =	task.clear_ibuf [dreg:s8], $0x6FFFF;
	_ =	strace $0x90000046  }
0xb4: {  	s29 =	simm.s32 $0x9;
	_ =	strace $0x80000048  }
0xb5: {  	_ =	swait.ge [sflag:s29], $0x1  }
0xb6: {  	[sflag:s29] =	ssyncadd.s32 $0xFFFFFFFF  }
0xb7: {  	_ =	strace $0x90000048  }
0xb8: {  	_ =	sfence  }
0xb9: {  	s30 =	sld [smem:$0x0];
	_ =	sdelay $0x2  }
0xba: {  	s31 =	sshll.u32 s1, $0xD;
	s1 =	sshrl.u32 s1, $0x2  }
0xbb: {  	s3 =	sand.u32 $0x4000, s31;
	s1 =	sadd.s32 s1, s30  }
0xbc: {  	s0 =	sor.u32 s3, s0;
	s1 =	sshll.u32 s1, $0x11  }
0xbd: {  	s0 =	sor.u32 s1, s0  }
0xbe: {  	s0 =	sadd.s32 $0x8F2B, s0  }
0xbf: {  	[sflag:s0] =	ssyncadd.remote.s32 $0x1  }
0xc0: {  	_ =	sfence.sel $0xFFFF  }
0xc1: {  	[dreg:$0x0] =	wrdreg $0xFFFFFFFF;
	(pc) =	sbr.abs _section_cstart, $3  }
0xc2: {  	[dreg:$0x1] =	wrdreg $0xFFFFFFFF  }
0xc3: {  	_ =	task.clear_ibuf [dreg:s8], $0x2FFFF;
	_ =	strace $0x9FFFFFFF  }
0xc4: {  	(tm) =	ssettm $0x7FFFFFFF  }
0xc5: {  	_ =	shalt  }
tec
execute0_lowered:
.L_overlay_start_1:
0x0: {  	(tag) =	ssettag $0x1  }
0x1: {  	s1 =	srdreg.scid  }
0x2: {  	s0 =	stileid.u32;
	s4 =	rddreg [dreg:$0x0]  }
0x3: {  	s2 =	rddreg [dreg:$0x1];
	s1 =	sand.u32 $0x1, s1;
	s3 =	sshll.u32 s0, $0x1  }
0x4: {  	s6 =	rddreg [dreg:$0x2];
	s5 =	sor.u32 s1, s3;
	s3 =	simm.s32 $0x0  }
0x5: {  	s13 =	simm.s32 $0x880;
	[smem:$0x7FF] =	sst s3  }
0x6: {  	s14 =	simm.s32 $0x1080;
	_ =	strace $0x80000047;
	[dreg:$0x6] =	wrdreg s13  }
0x7: {  	s15 =	simm.s32 $0x1880;
	s16 =	simm.s32 $0x2080;
	[dreg:$0x7] =	wrdreg s14  }
0x8: {  	s17 =	simm.s32 $0x2880;
	s18 =	simm.s32 $0x3080;
	[dreg:$0x8] =	wrdreg s15  }
0x9: {  	s20 =	simm.s32 $0x3880;
	s21 =	simm.s32 $0x4080;
	[dreg:$0x9] =	wrdreg s16  }
0xa: {  	s22 =	simm.s32 $0x4880;
	s23 =	simm.s32 $0x5080;
	[dreg:$0xa] =	wrdreg s17  }
0xb: {  	s24 =	simm.s32 $0x5880;
	s25 =	simm.s32 $0x6080;
	[dreg:$0xb] =	wrdreg s18  }
0xc: {  	s8 =	simm.s32 $0x80;
	s26 =	simm.s32 $0x6880;
	[dreg:$0xc] =	wrdreg s20  }
0xd: {  	s10 =	simm.s32 $0x7880;
	s11 =	simm.s32 $0x8080;
	[dreg:$0xd] =	wrdreg s21  }
0xe: {  	s28 =	simm.s32 $0x10080;
	s29 =	simm.s32 $0x10880;
	[dreg:$0xe] =	wrdreg s22  }
0xf: {  	s30 =	simm.s32 $0x11080;
	s31 =	simm.s32 $0x11880;
	[dreg:$0xf] =	wrdreg s23  }
0x10: {  	s1 =	ssub.s32 $0x2, s1;
	s7 =	smul.u32 $0xC, s5;
	[dreg:$0x10] =	wrdreg s24  }
0x11: {  	s5 =	smul.u32 $0x2400, s5;
	s19 =	sshrl.u32 s1, $0x1;
	[dreg:$0x11] =	wrdreg s25  }
0x12: {  	s1 =	ssub.s32 s1, s19;
	[dreg:$0x12] =	wrdreg s26;
	s13 =	simm.s32 $0x9080  }
0x13: {  	s14 =	simm.s32 $0x9880;
	s15 =	simm.s32 $0xA080;
	s16 =	simm.s32 $0xA880  }
0x14: {  	s17 =	simm.s32 $0xB080;
	s18 =	simm.s32 $0xB880;
	s19 =	simm.s32 $0xC080  }
0x15: {  	s20 =	simm.s32 $0xC880;
	s21 =	simm.s32 $0xD080;
	s22 =	simm.s32 $0xD880  }
0x16: {  	s23 =	simm.s32 $0xE080;
	s24 =	simm.s32 $0xE880;
	s25 =	simm.s32 $0xF080  }
0x17: {  	s26 =	simm.s32 $0xF880;
	s4 =	sadd.s32 s7, s4;
	s12 =	sadd.s32 s6, s5  }
0x18: {  	v2 =	vlaneseq.u32;
	s5 =	sadd.s32 $0x200, s2;
	s6 =	smax.u32 s1, $0x1;
	s7 =	simm.s32 $0x2  }
0x19: {  	vm0 =	vmmov $0xffff;
	v1 =	vshrl.u32 v2, $0x3;
	s1 =	simm.s32 $0x1;
	s4 =	sadd.s32 $0xE00, s4;
	[dreg:$0x5] =	wrdreg s12  }
0x1a: {  	v0 =	vand.u32 $0x7, v2;
	v2 =	vor.u32 $0x8, v2;
	v1 =	vmul.u32 $0x8, v1;
	s12 =	simm.s32 $0x8880;
	[dreg:$0x4] =	wrdreg s4;
	s4 =	sadd.s32 $0x100, s2  }
.LBB2_1:
0x1b: {  	s0 =	rddreg [dreg:$0x4]  }
0x1c: {  	[tilespmem:s3], [sflag:$0x2] =	stream.linear.gather [hbm4b:s0+s3], $0x60, $0x38;
	[tilespmem:$0x12080] =	vst v63  }
0x1d: {  	_ =	swait.ge [sflag:s7], $0x60  }
0x1e: {  	[sflag:s7] =	ssyncset.done $0x0  }
0x1f: {  	[sflag:s7] =	ssyncadd.s32 $0xFFFFFFA0  }
0x20: {  	v3 =	vld [tilespmem:$0x0];
	_ =	sdelay $0x4  }
0x21: {  	v4 =	vshrl.u32 v3, $0x3  }
0x22: {  	v4 =	vmul.u32 $0x30, v4  }
0x23: {  	v3 =	vand.u32 $0x7, v3  }
0x24: {  	v3 =	vor.u32 v3, v4  }
0x25: {  	v4 =	vperm.xlane v3, v0;
	_ =	sdelay $0x1  }
0x26: {  	v4 =	vadd.s32 v1, v4;
	_ =	sdelay $0x3  }
0x27: {  	v3 =	vperm.xlane v3, v2  }
0x28: {  	[tilespmem:s8], [sflag:$0x1] =	stream.indirect_vreg.gather [hbm4b:s2+s3], $0x80, v4, vm0, $0xb8;
	[tilespmem:$0x12080] =	vst v63  }
0x29: {  	s0 =	rddreg [dreg:$0x6];
	v3 =	vadd.s32 v1, v3  }
0x2a: {  	[tilespmem:s0], [sflag:$0x1] =	stream.indirect_vreg.gather [hbm4b:s4+s3], $0x80, v4, vm0, $0xb8;
	[tilespmem:$0x12080] =	vst v63  }
0x2b: {  	s9 =	rddreg [dreg:$0x7]  }
0x2c: {  	[tilespmem:s9], [sflag:$0x1] =	stream.indirect_vreg.gather [hbm4b:s5+s3], $0x80, v4, vm0, $0xb8;
	[tilespmem:$0x12080] =	vst v63  }
0x2d: {  	s0 =	rddreg [dreg:$0x8]  }
0x2e: {  	[tilespmem:s0], [sflag:$0x1] =	stream.indirect_vreg.gather [hbm4b:s2+s3], $0x80, v3, vm0, $0xb8;
	[tilespmem:$0x12080] =	vst v63  }
0x2f: {  	s9 =	rddreg [dreg:$0x9]  }
0x30: {  	[tilespmem:s9], [sflag:$0x1] =	stream.indirect_vreg.gather [hbm4b:s4+s3], $0x80, v3, vm0, $0xb8;
	[tilespmem:$0x12080] =	vst v63  }
0x31: {  	s0 =	rddreg [dreg:$0xa]  }
0x32: {  	[tilespmem:s0], [sflag:$0x1] =	stream.indirect_vreg.gather [hbm4b:s5+s3], $0x80, v3, vm0, $0xb8;
	[tilespmem:$0x12080] =	vst v63  }
0x33: {  	v3 =	vld [tilespmem:$0x10];
	_ =	sdelay $0x4  }
0x34: {  	v59 =	vshrl.u32 v3, $0x3  }
0x35: {  	v4 =	vmul.u32 $0x30, v59  }
0x36: {  	v3 =	vand.u32 $0x7, v3  }
0x37: {  	v3 =	vor.u32 v3, v4  }
0x38: {  	v4 =	vperm.xlane v3, v0;
	_ =	sdelay $0x1  }
0x39: {  	v4 =	vadd.s32 v1, v4;
	_ =	sdelay $0x3  }
0x3a: {  	s0 =	rddreg [dreg:$0xb];
	v3 =	vperm.xlane v3, v2  }
0x3b: {  	[tilespmem:s0], [sflag:$0x1] =	stream.indirect_vreg.gather [hbm4b:s2+s3], $0x80, v4, vm0, $0xb8;
	[tilespmem:$0x12080] =	vst v63  }
0x3c: {  	s9 =	rddreg [dreg:$0xc];
	v3 =	vadd.s32 v1, v3  }
0x3d: {  	[tilespmem:s9], [sflag:$0x1] =	stream.indirect_vreg.gather [hbm4b:s4+s3], $0x80, v4, vm0, $0xb8;
	[tilespmem:$0x12080] =	vst v63  }
0x3e: {  	s0 =	rddreg [dreg:$0xd]  }
0x3f: {  	[tilespmem:s0], [sflag:$0x1] =	stream.indirect_vreg.gather [hbm4b:s5+s3], $0x80, v4, vm0, $0xb8;
	[tilespmem:$0x12080] =	vst v63  }
0x40: {  	s9 =	rddreg [dreg:$0xe]  }
0x41: {  	[tilespmem:s9], [sflag:$0x1] =	stream.indirect_vreg.gather [hbm4b:s2+s3], $0x80, v3, vm0, $0xb8;
	[tilespmem:$0x12080] =	vst v63  }
0x42: {  	s0 =	rddreg [dreg:$0xf]  }
0x43: {  	[tilespmem:s0], [sflag:$0x1] =	stream.indirect_vreg.gather [hbm4b:s4+s3], $0x80, v3, vm0, $0xb8;
	[tilespmem:$0x12080] =	vst v63  }
0x44: {  	s9 =	rddreg [dreg:$0x10]  }
0x45: {  	[tilespmem:s9], [sflag:$0x1] =	stream.indirect_vreg.gather [hbm4b:s5+s3], $0x80, v3, vm0, $0xb8;
	[tilespmem:$0x12080] =	vst v63  }
0x46: {  	v3 =	vld [tilespmem:$0x20];
	_ =	sdelay $0x4  }
0x47: {  	v60 =	vshrl.u32 v3, $0x3  }
0x48: {  	v4 =	vmul.u32 $0x30, v60  }
0x49: {  	v3 =	vand.u32 $0x7, v3  }
0x4a: {  	v3 =	vor.u32 v3, v4  }
0x4b: {  	v4 =	vperm.xlane v3, v0;
	_ =	sdelay $0x1  }
0x4c: {  	v4 =	vadd.s32 v1, v4;
	_ =	sdelay $0x3  }
0x4d: {  	s0 =	rddreg [dreg:$0x11];
	v3 =	vperm.xlane v3, v2  }
0x4e: {  	[tilespmem:s0], [sflag:$0x1] =	stream.indirect_vreg.gather [hbm4b:s2+s3], $0x80, v4, vm0, $0xb8;
	[tilespmem:$0x12080] =	vst v63  }
0x4f: {  	s9 =	rddreg [dreg:$0x12];
	v3 =	vadd.s32 v1, v3  }
0x50: {  	[tilespmem:s9], [sflag:$0x1] =	stream.indirect_vreg.gather [hbm4b:s4+s3], $0x80, v4, vm0, $0xb8;
	[tilespmem:$0x12080] =	vst v63  }
0x51: {  	s9 =	simm.s32 $0x7080  }
0x52: {  	[tilespmem:s9], [sflag:$0x1] =	stream.indirect_vreg.gather [hbm4b:s5+s3], $0x80, v4, vm0, $0xb8;
	[tilespmem:$0x12080] =	vst v63  }
0x53: {  	_ = 	snop  }
0x54: {  	[tilespmem:s10], [sflag:$0x1] =	stream.indirect_vreg.gather [hbm4b:s2+s3], $0x80, v3, vm0, $0xb8;
	[tilespmem:$0x12080] =	vst v63  }
0x55: {  	_ = 	snop  }
0x56: {  	[tilespmem:s11], [sflag:$0x1] =	stream.indirect_vreg.gather [hbm4b:s4+s3], $0x80, v3, vm0, $0xb8;
	[tilespmem:$0x12080] =	vst v63  }
0x57: {  	_ = 	snop  }
0x58: {  	[tilespmem:s12], [sflag:$0x1] =	stream.indirect_vreg.gather [hbm4b:s5+s3], $0x80, v3, vm0, $0xb8;
	[tilespmem:$0x12080] =	vst v63  }
0x59: {  	v3 =	vld [tilespmem:$0x30];
	_ =	sdelay $0x4  }
0x5a: {  	v61 =	vshrl.u32 v3, $0x3  }
0x5b: {  	v4 =	vmul.u32 $0x30, v61  }
0x5c: {  	v3 =	vand.u32 $0x7, v3  }
0x5d: {  	v3 =	vor.u32 v3, v4  }
0x5e: {  	v4 =	vperm.xlane v3, v0;
	_ =	sdelay $0x1  }
0x5f: {  	v4 =	vadd.s32 v1, v4;
	_ =	sdelay $0x3  }
0x60: {  	v3 =	vperm.xlane v3, v2  }
0x61: {  	[tilespmem:s13], [sflag:$0x1] =	stream.indirect_vreg.gather [hbm4b:s2+s3], $0x80, v4, vm0, $0xb8;
	[tilespmem:$0x12080] =	vst v63  }
0x62: {  	v3 =	vadd.s32 v1, v3  }
0x63: {  	[tilespmem:s14], [sflag:$0x1] =	stream.indirect_vreg.gather [hbm4b:s4+s3], $0x80, v4, vm0, $0xb8;
	[tilespmem:$0x12080] =	vst v63  }
0x64: {  	_ = 	snop  }
0x65: {  	[tilespmem:s15], [sflag:$0x1] =	stream.indirect_vreg.gather [hbm4b:s5+s3], $0x80, v4, vm0, $0xb8;
	[tilespmem:$0x12080] =	vst v63  }
0x66: {  	_ = 	snop  }
0x67: {  	[tilespmem:s16], [sflag:$0x1] =	stream.indirect_vreg.gather [hbm4b:s2+s3], $0x80, v3, vm0, $0xb8;
	[tilespmem:$0x12080] =	vst v63  }
0x68: {  	_ = 	snop  }
0x69: {  	[tilespmem:s17], [sflag:$0x1] =	stream.indirect_vreg.gather [hbm4b:s4+s3], $0x80, v3, vm0, $0xb8;
	[tilespmem:$0x12080] =	vst v63  }
0x6a: {  	_ = 	snop  }
0x6b: {  	[tilespmem:s18], [sflag:$0x1] =	stream.indirect_vreg.gather [hbm4b:s5+s3], $0x80, v3, vm0, $0xb8;
	[tilespmem:$0x12080] =	vst v63  }
0x6c: {  	v3 =	vld [tilespmem:$0x40];
	_ =	sdelay $0x4  }
0x6d: {  	v62 =	vshrl.u32 v3, $0x3  }
0x6e: {  	v4 =	vmul.u32 $0x30, v62  }
0x6f: {  	v3 =	vand.u32 $0x7, v3  }
0x70: {  	v3 =	vor.u32 v3, v4  }
0x71: {  	v4 =	vperm.xlane v3, v0;
	_ =	sdelay $0x1  }
0x72: {  	v4 =	vadd.s32 v1, v4;
	_ =	sdelay $0x3  }
0x73: {  	v3 =	vperm.xlane v3, v2  }
0x74: {  	[tilespmem:s19], [sflag:$0x1] =	stream.indirect_vreg.gather [hbm4b:s2+s3], $0x80, v4, vm0, $0xb8;
	[tilespmem:$0x12080] =	vst v63  }
0x75: {  	v3 =	vadd.s32 v1, v3  }
0x76: {  	[tilespmem:s20], [sflag:$0x1] =	stream.indirect_vreg.gather [hbm4b:s4+s3], $0x80, v4, vm0, $0xb8;
	[tilespmem:$0x12080] =	vst v63  }
0x77: {  	_ = 	snop  }
0x78: {  	[tilespmem:s21], [sflag:$0x1] =	stream.indirect_vreg.gather [hbm4b:s5+s3], $0x80, v4, vm0, $0xb8;
	[tilespmem:$0x12080] =	vst v63  }
0x79: {  	_ = 	snop  }
0x7a: {  	[tilespmem:s22], [sflag:$0x1] =	stream.indirect_vreg.gather [hbm4b:s2+s3], $0x80, v3, vm0, $0xb8;
	[tilespmem:$0x12080] =	vst v63  }
0x7b: {  	_ = 	snop  }
0x7c: {  	[tilespmem:s23], [sflag:$0x1] =	stream.indirect_vreg.gather [hbm4b:s4+s3], $0x80, v3, vm0, $0xb8;
	[tilespmem:$0x12080] =	vst v63  }
0x7d: {  	_ = 	snop  }
0x7e: {  	[tilespmem:s24], [sflag:$0x1] =	stream.indirect_vreg.gather [hbm4b:s5+s3], $0x80, v3, vm0, $0xb8;
	[tilespmem:$0x12080] =	vst v63  }
0x7f: {  	v3 =	vld [tilespmem:$0x50];
	_ =	sdelay $0x4  }
0x80: {  	v63 =	vshrl.u32 v3, $0x3  }
0x81: {  	v4 =	vmul.u32 $0x30, v63  }
0x82: {  	v3 =	vand.u32 $0x7, v3  }
0x83: {  	v3 =	vor.u32 v3, v4  }
0x84: {  	v4 =	vperm.xlane v3, v0;
	_ =	sdelay $0x1  }
0x85: {  	v4 =	vadd.s32 v1, v4;
	_ =	sdelay $0x3  }
0x86: {  	v3 =	vperm.xlane v3, v2  }
0x87: {  	[tilespmem:s25], [sflag:$0x1] =	stream.indirect_vreg.gather [hbm4b:s2+s3], $0x80, v4, vm0, $0xb8;
	[tilespmem:$0x12080] =	vst v63  }
0x88: {  	v3 =	vadd.s32 v1, v3  }
0x89: {  	[tilespmem:s26], [sflag:$0x1] =	stream.indirect_vreg.gather [hbm4b:s4+s3], $0x80, v4, vm0, $0xb8;
	[tilespmem:$0x12080] =	vst v63  }
0x8a: {  	_ = 	snop  }
0x8b: {  	[tilespmem:s28], [sflag:$0x1] =	stream.indirect_vreg.gather [hbm4b:s5+s3], $0x80, v4, vm0, $0xb8;
	[tilespmem:$0x12080] =	vst v63  }
0x8c: {  	_ = 	snop  }
0x8d: {  	[tilespmem:s29], [sflag:$0x1] =	stream.indirect_vreg.gather [hbm4b:s2+s3], $0x80, v3, vm0, $0xb8;
	[tilespmem:$0x12080] =	vst v63  }
0x8e: {  	_ = 	snop  }
0x8f: {  	[tilespmem:s30], [sflag:$0x1] =	stream.indirect_vreg.gather [hbm4b:s4+s3], $0x80, v3, vm0, $0xb8;
	[tilespmem:$0x12080] =	vst v63  }
0x90: {  	_ = 	snop  }
0x91: {  	[tilespmem:s31], [sflag:$0x1] =	stream.indirect_vreg.gather [hbm4b:s5+s3], $0x80, v3, vm0, $0xb8;
	[tilespmem:$0x12080] =	vst v63  }
0x92: {  	_ =	swait.ge [sflag:s1], $0x12000  }
0x93: {  	p0 =	sne.s32 s6, $0x1;
	[sflag:s1] =	ssyncset.done $0x0  }
.Ltmp0:
0x94: {  	s9 =	rddreg [dreg:$0x5];
	[sflag:s1] =	ssyncadd.s32 $0xFFFEE000;
	(pc) =	sbr.rel @p0 .LBB2_1-.Ltmp0, $4  }
0x95: {  	[hbm4b:s9+s3] =	stream.linear.scatter [tilespmem:s8], [sflag:$0x2], $0x12000, $0x38;
	[tilespmem:$0x12080] =	vst v63  }
0x96: {  	_ =	swait.ge [sflag:s7], $0x12000  }
0x97: {  	[sflag:s7] =	ssyncset.done $0x0  }
0x98: {  	s6 =	sadd.s32 $0xFFFFFFFF, s6;
	[sflag:s7] =	ssyncadd.s32 $0xFFFEE000  }
0x99: {  	_ =	sfence.sel $0x180000  }
0x9a: {  	[bflag:$0x0] =	sbarrier.arrive $0xFFFF  }
0x9b: {  	_ =	strace $0x90000047  }
0x9c: {  	s0 =	stileid.u32;
	[bflag:$0x2] =	sbarrier.arrive $0xFFFF  }
0x9d: {  	p0 =	sne.s32 s0, $0x0;
	s0 =	rddreg [dreg:$0x3]  }
0x9e: {  	s0 =	sadd.s32 @!p0 $0x100000, s0  }
0x9f: {  	[sflag:s0] =	ssyncadd.tile.s32 @!p0 $0x1;
	_ =	shalt  }
.Lfunc_end2:
_tile_overlayer_lowered:
.L_overlay_start_2:
0xa0: {  	(tag) =	ssettag $0x2  }
0xa1: {  	s0 =	rddreg [dreg:$0x0];
	s2 =	stileid.u32  }
0xa2: {  	s1 =	rddreg [dreg:$0x1];
	p0 =	sne.s32 s2, $0x0  }
0xa3: {  	s3 =	rddreg [dreg:$0x2];
	[bflag:$0x3] =	sbarrier.arrive $0xFFFF;
	s2 =	simm.s32 @!p0 $0x1C02  }
0xa4: {  	[timem:s3], [sflag:s2] =	dma.local @!p0 [hbm:s0], s1  }
0xa5: {  	s0 =	simm.s32 @!p0 $0x2  }
0xa6: {  	_ =	swait.ge @!p0 [sflag:s0], s1  }
0xa7: {  	s1 =	ssub.s32 @!p0 $0x0, s1;
	[sflag:s0] =	ssyncset.done @!p0 $0x0  }
0xa8: {  	[sflag:s0] =	ssyncadd.s32 @!p0 s1  }
0xa9: {  	[bflag:$0x3] =	sbarrier.arrive $0xFFFF  }
0xaa: {  	_ =	shalt  }

</sc_bundles>
